<compile_context>
chip_gen: v7x
topology: tpu7x:2x2x1
jax: 0.10.2.dev20260603
libtpu: 0.0.44.dev20260713+nightly
codegen_flags: <defaults>
</compile_context>

<pallas_src>
import jax
import jax.numpy as jnp
from jax import lax
from jax.experimental import pallas as pl
from jax.experimental.pallas import tpu as pltpu
from jax.experimental.pallas import tpu_sc as plsc

_BS = 8


_IDX_W = 112


def _sc_lookup_body(table_hbm, rows_hbm, idx_v, rows_v, sem):
    first = (lax.axis_index("c") == 0) & (lax.axis_index("s") == 0)

    @pl.when(first)
    def _():
        S = rows_hbm.shape[0]
        for j in range(2):
            for i in range(_IDX_W // 16):
                idx_v[j, pl.ds(i * 16, 16)] = lax.iota(jnp.int32, 16) + (
                    j * _IDX_W + i * 16
                )
        burst = [
            pltpu.async_copy(
                table_hbm.at[idx_v.at[j]],
                rows_v.at[pl.ds(j * _IDX_W, _IDX_W)],
                sem,
            )
            for j in range(2)
        ]
        for c in burst:
            c.wait()
        pltpu.sync_copy(rows_v.at[pl.ds(0, S)], rows_hbm)


def _tc_splat_body(rows_ref, out_ref):
    out_ref[...] = jnp.broadcast_to(
        rows_ref[...][:, :, None], out_ref.shape
    )


def kernel(x, pos_table):
    N, S = x.shape
    V, D = pos_table.shape
    assert S <= 2 * _IDX_W <= V

    mesh = plsc.VectorSubcoreMesh(
        core_axis_name="c", subcore_axis_name="s", num_cores=1,
        num_subcores=1,
    )
    sc_lookup = pl.kernel(
        _sc_lookup_body,
        out_type=jax.ShapeDtypeStruct((S, D), jnp.float32),
        mesh=mesh,
        scratch_types=[
            pltpu.VMEM((2, _IDX_W), jnp.int32),
            pltpu.VMEM((2 * _IDX_W, D), jnp.float32),
            pltpu.SemaphoreType.DMA,
        ],
        compiler_params=pltpu.CompilerParams(use_tc_tiling_on_sc=False),
    )
    rows = sc_lookup(pos_table)

    bs = _BS
    while S % bs:
        bs //= 2
    out_t = pl.pallas_call(
        _tc_splat_body,
        grid=(S // bs,),
        in_specs=[pl.BlockSpec((bs, D), lambda i: (i, 0))],
        out_specs=pl.BlockSpec((bs, D, N), lambda i: (i, 0, 0)),
        out_shape=jax.ShapeDtypeStruct((S, D, N), jnp.float32),
    )(rows)
    return jnp.transpose(out_t, (2, 0, 1))

# --- scband reference (transcript-rebuilt; emitter-appended) ---
"""Pipeline reference for scband-positional-embedding-6012954215122 (READ-ONLY COPY).

The authoritative reference and input builder live on the scoring server;
editing this copy changes nothing except your own understanding.
"""

import jax, jax.numpy as jnp
import numpy as np


def setup_inputs(seed: int = 0) -> dict:
    key = jax.random.key(seed)
    k1, k2 = jax.random.split(key)
    x = jax.random.randint(k1, (4096, 200), 0, 1000, dtype=jnp.int64) if jax.config.read('jax_enable_x64') else jax.random.randint(k1, (4096, 200), 0, 1000, dtype=jnp.int32)
    pos_table = jax.random.normal(k2, (514, 64), dtype=jnp.float32)
    return {"x": x, "pos_table": pos_table}


def reference(x, pos_table):
    N, S = x.shape
    pos = jnp.arange(S, dtype=jnp.int32)
    pos = jnp.broadcast_to(pos[None, :], (N, S))
    # embedding lookup: gather rows of pos_table
    return jnp.take(pos_table, pos, axis=0)

if __name__ == "__main__":
    import jax
    _d = setup_inputs()
    print(jax.jit(kernel)(*tuple(_d.values())))

</pallas_src>

<mosaic_0001>
#map = affine_map<(d0, d1) -> (0, 0)>
module attributes {stable_mosaic.version = 14 : i64} {
  func.func @_sc_lookup_body(%arg0: i32, %arg1: i32, %arg2: memref<514x64xf32, #tpu.memory_space<hbm>>, %arg3: memref<200x64xf32, #tpu.memory_space<hbm>>, %arg4: memref<2x112xi32, #tpu.memory_space<vmem>>, %arg5: memref<224x64xf32, #tpu.memory_space<vmem>>, %arg6: memref<!tpu.dma_semaphore, #tpu.memory_space<semaphore_mem>>) attributes {dimension_semantics = [#tpu.dimension_semantics<core_parallel>, #tpu.dimension_semantics<subcore_parallel>], iteration_bounds = array<i64: 1, 1>, scalar_prefetch = 0 : i64, scratch_operands = 3 : i64, tpu.core_type = #tpu.core_type<sc_vector_subcore>, window_params = [{transform_indices = #map}, {transform_indices = #map}]} {
    %eq3A = arith.constant 0 : i32
    %eq3A_0 = arith.cmpi eq, %arg0, %eq3A : i32
    %eq3A_1 = arith.constant 0 : i32
    %eq3A_2 = arith.cmpi eq, %arg1, %eq3A_1 : i32
    %and3A = arith.andi %eq3A_0, %eq3A_2 : i1
    %convert_element_type3A = arith.extui %and3A : i1 to i32
    %cond3A = arith.constant 0 : i32
    %cond3A_3 = arith.cmpi ne, %convert_element_type3A, %cond3A : i32
    scf.if %cond3A_3 {
      %iota3A = tpu.iota {dimensions = array<i32: 0>} : vector<16xi32>
      %add3A = arith.constant 0 : i32
      %add3A_4 = vector.broadcast %add3A : i32 to vector<16xi32>
      %add3A_5 = arith.addi %iota3A, %add3A_4 : vector<16xi32>
      %swap3A = arith.constant 0 : i32
      %swap3A_6 = arith.index_cast %swap3A : i32 to index
      %swap3A_7 = arith.constant 0 : index
      %swap3A_8 = tpu.vector_load %arg4[%swap3A_6, %swap3A_7] {strides = array<i32>} : memref<2x112xi32, #tpu.memory_space<vmem>>, vector<1x16xi32>,
      %swap3A_9 = vector.shape_cast %swap3A_8 : vector<1x16xi32> to vector<16xi32>
      %swap3A_10 = vector.shape_cast %add3A_5 : vector<16xi32> to vector<1x16xi32>
      tpu.vector_store %arg4[%swap3A_6, %swap3A_7], %swap3A_10 {strides = array<i32>} : memref<2x112xi32, #tpu.memory_space<vmem>>, vector<1x16xi32>,
      %iota3A_11 = tpu.iota {dimensions = array<i32: 0>} : vector<16xi32>
      %add3A_12 = arith.constant 16 : i32
      %add3A_13 = vector.broadcast %add3A_12 : i32 to vector<16xi32>
      %add3A_14 = arith.addi %iota3A_11, %add3A_13 : vector<16xi32>
      %swap3A_15 = arith.constant 0 : i32
      %swap3A_16 = arith.index_cast %swap3A_15 : i32 to index
      %swap3A_17 = arith.constant 16 : index
      %swap3A_18 = tpu.vector_load %arg4[%swap3A_16, %swap3A_17] {strides = array<i32>} : memref<2x112xi32, #tpu.memory_space<vmem>>, vector<1x16xi32>,
      %swap3A_19 = vector.shape_cast %swap3A_18 : vector<1x16xi32> to vector<16xi32>
      %swap3A_20 = vector.shape_cast %add3A_14 : vector<16xi32> to vector<1x16xi32>
      tpu.vector_store %arg4[%swap3A_16, %swap3A_17], %swap3A_20 {strides = array<i32>} : memref<2x112xi32, #tpu.memory_space<vmem>>, vector<1x16xi32>,
      %iota3A_21 = tpu.iota {dimensions = array<i32: 0>} : vector<16xi32>
      %add3A_22 = arith.constant 32 : i32
      %add3A_23 = vector.broadcast %add3A_22 : i32 to vector<16xi32>
      %add3A_24 = arith.addi %iota3A_21, %add3A_23 : vector<16xi32>
      %swap3A_25 = arith.constant 0 : i32
      %swap3A_26 = arith.index_cast %swap3A_25 : i32 to index
      %swap3A_27 = arith.constant 32 : index
      %swap3A_28 = tpu.vector_load %arg4[%swap3A_26, %swap3A_27] {strides = array<i32>} : memref<2x112xi32, #tpu.memory_space<vmem>>, vector<1x16xi32>,
      %swap3A_29 = vector.shape_cast %swap3A_28 : vector<1x16xi32> to vector<16xi32>
      %swap3A_30 = vector.shape_cast %add3A_24 : vector<16xi32> to vector<1x16xi32>
      tpu.vector_store %arg4[%swap3A_26, %swap3A_27], %swap3A_30 {strides = array<i32>} : memref<2x112xi32, #tpu.memory_space<vmem>>, vector<1x16xi32>,
      %iota3A_31 = tpu.iota {dimensions = array<i32: 0>} : vector<16xi32>
      %add3A_32 = arith.constant 48 : i32
      %add3A_33 = vector.broadcast %add3A_32 : i32 to vector<16xi32>
      %add3A_34 = arith.addi %iota3A_31, %add3A_33 : vector<16xi32>
      %swap3A_35 = arith.constant 0 : i32
      %swap3A_36 = arith.index_cast %swap3A_35 : i32 to index
      %swap3A_37 = arith.constant 48 : index
      %swap3A_38 = tpu.vector_load %arg4[%swap3A_36, %swap3A_37] {strides = array<i32>} : memref<2x112xi32, #tpu.memory_space<vmem>>, vector<1x16xi32>,
      %swap3A_39 = vector.shape_cast %swap3A_38 : vector<1x16xi32> to vector<16xi32>
      %swap3A_40 = vector.shape_cast %add3A_34 : vector<16xi32> to vector<1x16xi32>
      tpu.vector_store %arg4[%swap3A_36, %swap3A_37], %swap3A_40 {strides = array<i32>} : memref<2x112xi32, #tpu.memory_space<vmem>>, vector<1x16xi32>,
      %iota3A_41 = tpu.iota {dimensions = array<i32: 0>} : vector<16xi32>
      %add3A_42 = arith.constant 64 : i32
      %add3A_43 = vector.broadcast %add3A_42 : i32 to vector<16xi32>
      %add3A_44 = arith.addi %iota3A_41, %add3A_43 : vector<16xi32>
      %swap3A_45 = arith.constant 0 : i32
      %swap3A_46 = arith.index_cast %swap3A_45 : i32 to index
      %swap3A_47 = arith.constant 64 : index
      %swap3A_48 = tpu.vector_load %arg4[%swap3A_46, %swap3A_47] {strides = array<i32>} : memref<2x112xi32, #tpu.memory_space<vmem>>, vector<1x16xi32>,
      %swap3A_49 = vector.shape_cast %swap3A_48 : vector<1x16xi32> to vector<16xi32>
      %swap3A_50 = vector.shape_cast %add3A_44 : vector<16xi32> to vector<1x16xi32>
      tpu.vector_store %arg4[%swap3A_46, %swap3A_47], %swap3A_50 {strides = array<i32>} : memref<2x112xi32, #tpu.memory_space<vmem>>, vector<1x16xi32>,
      %iota3A_51 = tpu.iota {dimensions = array<i32: 0>} : vector<16xi32>
      %add3A_52 = arith.constant 80 : i32
      %add3A_53 = vector.broadcast %add3A_52 : i32 to vector<16xi32>
      %add3A_54 = arith.addi %iota3A_51, %add3A_53 : vector<16xi32>
      %swap3A_55 = arith.constant 0 : i32
      %swap3A_56 = arith.index_cast %swap3A_55 : i32 to index
      %swap3A_57 = arith.constant 80 : index
      %swap3A_58 = tpu.vector_load %arg4[%swap3A_56, %swap3A_57] {strides = array<i32>} : memref<2x112xi32, #tpu.memory_space<vmem>>, vector<1x16xi32>,
      %swap3A_59 = vector.shape_cast %swap3A_58 : vector<1x16xi32> to vector<16xi32>
      %swap3A_60 = vector.shape_cast %add3A_54 : vector<16xi32> to vector<1x16xi32>
      tpu.vector_store %arg4[%swap3A_56, %swap3A_57], %swap3A_60 {strides = array<i32>} : memref<2x112xi32, #tpu.memory_space<vmem>>, vector<1x16xi32>,
      %iota3A_61 = tpu.iota {dimensions = array<i32: 0>} : vector<16xi32>
      %add3A_62 = arith.constant 96 : i32
      %add3A_63 = vector.broadcast %add3A_62 : i32 to vector<16xi32>
      %add3A_64 = arith.addi %iota3A_61, %add3A_63 : vector<16xi32>
      %swap3A_65 = arith.constant 0 : i32
      %swap3A_66 = arith.index_cast %swap3A_65 : i32 to index
      %swap3A_67 = arith.constant 96 : index
      %swap3A_68 = tpu.vector_load %arg4[%swap3A_66, %swap3A_67] {strides = array<i32>} : memref<2x112xi32, #tpu.memory_space<vmem>>, vector<1x16xi32>,
      %swap3A_69 = vector.shape_cast %swap3A_68 : vector<1x16xi32> to vector<16xi32>
      %swap3A_70 = vector.shape_cast %add3A_64 : vector<16xi32> to vector<1x16xi32>
      tpu.vector_store %arg4[%swap3A_66, %swap3A_67], %swap3A_70 {strides = array<i32>} : memref<2x112xi32, #tpu.memory_space<vmem>>, vector<1x16xi32>,
      %iota3A_71 = tpu.iota {dimensions = array<i32: 0>} : vector<16xi32>
      %add3A_72 = arith.constant 112 : i32
      %add3A_73 = vector.broadcast %add3A_72 : i32 to vector<16xi32>
      %add3A_74 = arith.addi %iota3A_71, %add3A_73 : vector<16xi32>
      %swap3A_75 = arith.constant 1 : i32
      %swap3A_76 = arith.index_cast %swap3A_75 : i32 to index
      %swap3A_77 = arith.constant 0 : index
      %swap3A_78 = tpu.vector_load %arg4[%swap3A_76, %swap3A_77] {strides = array<i32>} : memref<2x112xi32, #tpu.memory_space<vmem>>, vector<1x16xi32>,
      %swap3A_79 = vector.shape_cast %swap3A_78 : vector<1x16xi32> to vector<16xi32>
      %swap3A_80 = vector.shape_cast %add3A_74 : vector<16xi32> to vector<1x16xi32>
      tpu.vector_store %arg4[%swap3A_76, %swap3A_77], %swap3A_80 {strides = array<i32>} : memref<2x112xi32, #tpu.memory_space<vmem>>, vector<1x16xi32>,
      %iota3A_81 = tpu.iota {dimensions = array<i32: 0>} : vector<16xi32>
      %add3A_82 = arith.constant 128 : i32
      %add3A_83 = vector.broadcast %add3A_82 : i32 to vector<16xi32>
      %add3A_84 = arith.addi %iota3A_81, %add3A_83 : vector<16xi32>
      %swap3A_85 = arith.constant 1 : i32
      %swap3A_86 = arith.index_cast %swap3A_85 : i32 to index
      %swap3A_87 = arith.constant 16 : index
      %swap3A_88 = tpu.vector_load %arg4[%swap3A_86, %swap3A_87] {strides = array<i32>} : memref<2x112xi32, #tpu.memory_space<vmem>>, vector<1x16xi32>,
      %swap3A_89 = vector.shape_cast %swap3A_88 : vector<1x16xi32> to vector<16xi32>
      %swap3A_90 = vector.shape_cast %add3A_84 : vector<16xi32> to vector<1x16xi32>
      tpu.vector_store %arg4[%swap3A_86, %swap3A_87], %swap3A_90 {strides = array<i32>} : memref<2x112xi32, #tpu.memory_space<vmem>>, vector<1x16xi32>,
      %iota3A_91 = tpu.iota {dimensions = array<i32: 0>} : vector<16xi32>
      %add3A_92 = arith.constant 144 : i32
      %add3A_93 = vector.broadcast %add3A_92 : i32 to vector<16xi32>
      %add3A_94 = arith.addi %iota3A_91, %add3A_93 : vector<16xi32>
      %swap3A_95 = arith.constant 1 : i32
      %swap3A_96 = arith.index_cast %swap3A_95 : i32 to index
      %swap3A_97 = arith.constant 32 : index
      %swap3A_98 = tpu.vector_load %arg4[%swap3A_96, %swap3A_97] {strides = array<i32>} : memref<2x112xi32, #tpu.memory_space<vmem>>, vector<1x16xi32>,
      %swap3A_99 = vector.shape_cast %swap3A_98 : vector<1x16xi32> to vector<16xi32>
      %swap3A_100 = vector.shape_cast %add3A_94 : vector<16xi32> to vector<1x16xi32>
      tpu.vector_store %arg4[%swap3A_96, %swap3A_97], %swap3A_100 {strides = array<i32>} : memref<2x112xi32, #tpu.memory_space<vmem>>, vector<1x16xi32>,
      %iota3A_101 = tpu.iota {dimensions = array<i32: 0>} : vector<16xi32>
      %add3A_102 = arith.constant 160 : i32
      %add3A_103 = vector.broadcast %add3A_102 : i32 to vector<16xi32>
      %add3A_104 = arith.addi %iota3A_101, %add3A_103 : vector<16xi32>
      %swap3A_105 = arith.constant 1 : i32
      %swap3A_106 = arith.index_cast %swap3A_105 : i32 to index
      %swap3A_107 = arith.constant 48 : index
      %swap3A_108 = tpu.vector_load %arg4[%swap3A_106, %swap3A_107] {strides = array<i32>} : memref<2x112xi32, #tpu.memory_space<vmem>>, vector<1x16xi32>,
      %swap3A_109 = vector.shape_cast %swap3A_108 : vector<1x16xi32> to vector<16xi32>
      %swap3A_110 = vector.shape_cast %add3A_104 : vector<16xi32> to vector<1x16xi32>
      tpu.vector_store %arg4[%swap3A_106, %swap3A_107], %swap3A_110 {strides = array<i32>} : memref<2x112xi32, #tpu.memory_space<vmem>>, vector<1x16xi32>,
      %iota3A_111 = tpu.iota {dimensions = array<i32: 0>} : vector<16xi32>
      %add3A_112 = arith.constant 176 : i32
      %add3A_113 = vector.broadcast %add3A_112 : i32 to vector<16xi32>
      %add3A_114 = arith.addi %iota3A_111, %add3A_113 : vector<16xi32>
      %swap3A_115 = arith.constant 1 : i32
      %swap3A_116 = arith.index_cast %swap3A_115 : i32 to index
      %swap3A_117 = arith.constant 64 : index
      %swap3A_118 = tpu.vector_load %arg4[%swap3A_116, %swap3A_117] {strides = array<i32>} : memref<2x112xi32, #tpu.memory_space<vmem>>, vector<1x16xi32>,
      %swap3A_119 = vector.shape_cast %swap3A_118 : vector<1x16xi32> to vector<16xi32>
      %swap3A_120 = vector.shape_cast %add3A_114 : vector<16xi32> to vector<1x16xi32>
      tpu.vector_store %arg4[%swap3A_116, %swap3A_117], %swap3A_120 {strides = array<i32>} : memref<2x112xi32, #tpu.memory_space<vmem>>, vector<1x16xi32>,
      %iota3A_121 = tpu.iota {dimensions = array<i32: 0>} : vector<16xi32>
      %add3A_122 = arith.constant 192 : i32
      %add3A_123 = vector.broadcast %add3A_122 : i32 to vector<16xi32>
      %add3A_124 = arith.addi %iota3A_121, %add3A_123 : vector<16xi32>
      %swap3A_125 = arith.constant 1 : i32
      %swap3A_126 = arith.index_cast %swap3A_125 : i32 to index
      %swap3A_127 = arith.constant 80 : index
      %swap3A_128 = tpu.vector_load %arg4[%swap3A_126, %swap3A_127] {strides = array<i32>} : memref<2x112xi32, #tpu.memory_space<vmem>>, vector<1x16xi32>,
      %swap3A_129 = vector.shape_cast %swap3A_128 : vector<1x16xi32> to vector<16xi32>
      %swap3A_130 = vector.shape_cast %add3A_124 : vector<16xi32> to vector<1x16xi32>
      tpu.vector_store %arg4[%swap3A_126, %swap3A_127], %swap3A_130 {strides = array<i32>} : memref<2x112xi32, #tpu.memory_space<vmem>>, vector<1x16xi32>,
      %iota3A_131 = tpu.iota {dimensions = array<i32: 0>} : vector<16xi32>
      %add3A_132 = arith.constant 208 : i32
      %add3A_133 = vector.broadcast %add3A_132 : i32 to vector<16xi32>
      %add3A_134 = arith.addi %iota3A_131, %add3A_133 : vector<16xi32>
      %swap3A_135 = arith.constant 1 : i32
      %swap3A_136 = arith.index_cast %swap3A_135 : i32 to index
      %swap3A_137 = arith.constant 96 : index
      %swap3A_138 = tpu.vector_load %arg4[%swap3A_136, %swap3A_137] {strides = array<i32>} : memref<2x112xi32, #tpu.memory_space<vmem>>, vector<1x16xi32>,
      %swap3A_139 = vector.shape_cast %swap3A_138 : vector<1x16xi32> to vector<16xi32>
      %swap3A_140 = vector.shape_cast %add3A_134 : vector<16xi32> to vector<1x16xi32>
      tpu.vector_store %arg4[%swap3A_136, %swap3A_137], %swap3A_140 {strides = array<i32>} : memref<2x112xi32, #tpu.memory_space<vmem>>, vector<1x16xi32>,
      %dma_start3A = arith.constant 0 : i32
      %dma_start3A_141 = arith.constant 0 : i32
      %dma_start3A_142 = arith.constant 0 : i32
      %dma_start3A_143 = tpu.memref_slice %arg5[%dma_start3A_141, %dma_start3A_142] : memref<224x64xf32, #tpu.memory_space<vmem>> -> memref<112x64xf32, #tpu.memory_space<vmem>>
      %dma_start3A_144 = arith.constant 0 : i32
      %dma_start3A_145 = tpu.memref_slice %arg4[%dma_start3A, %dma_start3A_144] : memref<2x112xi32, #tpu.memory_space<vmem>> -> memref<1x112xi32, #tpu.memory_space<vmem>>
      %dma_start3A_146 = tpu.memref_squeeze %dma_start3A_145 : memref<1x112xi32, #tpu.memory_space<vmem>> -> memref<112xi32, #tpu.memory_space<vmem>>
      %dma_start3A_147 = arith.constant 0 : i32
      %dma_start3A_148 = arith.constant 0 : i32
      %dma_start3A_149 = tpu.memref_slice %arg2[%dma_start3A_147, %dma_start3A_148] : memref<514x64xf32, #tpu.memory_space<hbm>> -> memref<514x64xf32, #tpu.memory_space<hbm>>
      tpu.enqueue_indirect_dma source(%dma_start3A_149 : memref<514x64xf32, #tpu.memory_space<hbm>>) target(%dma_start3A_143 : memref<112x64xf32, #tpu.memory_space<vmem>>) offsets(%dma_start3A_146 : memref<112xi32, #tpu.memory_space<vmem>>) semaphore(%arg6 : memref<!tpu.dma_semaphore, #tpu.memory_space<semaphore_mem>>)
      %dma_start3A_150 = arith.constant 1 : i32
      %dma_start3A_151 = arith.constant 112 : i32
      %dma_start3A_152 = arith.constant 0 : i32
      %dma_start3A_153 = tpu.memref_slice %arg5[%dma_start3A_151, %dma_start3A_152] : memref<224x64xf32, #tpu.memory_space<vmem>> -> memref<112x64xf32, #tpu.memory_space<vmem>>
      %dma_start3A_154 = arith.constant 0 : i32
      %dma_start3A_155 = tpu.memref_slice %arg4[%dma_start3A_150, %dma_start3A_154] : memref<2x112xi32, #tpu.memory_space<vmem>> -> memref<1x112xi32, #tpu.memory_space<vmem>>
      %dma_start3A_156 = tpu.memref_squeeze %dma_start3A_155 : memref<1x112xi32, #tpu.memory_space<vmem>> -> memref<112xi32, #tpu.memory_space<vmem>>
      %dma_start3A_157 = arith.constant 0 : i32
      %dma_start3A_158 = arith.constant 0 : i32
      %dma_start3A_159 = tpu.memref_slice %arg2[%dma_start3A_157, %dma_start3A_158] : memref<514x64xf32, #tpu.memory_space<hbm>> -> memref<514x64xf32, #tpu.memory_space<hbm>>
      tpu.enqueue_indirect_dma source(%dma_start3A_159 : memref<514x64xf32, #tpu.memory_space<hbm>>) target(%dma_start3A_153 : memref<112x64xf32, #tpu.memory_space<vmem>>) offsets(%dma_start3A_156 : memref<112xi32, #tpu.memory_space<vmem>>) semaphore(%arg6 : memref<!tpu.dma_semaphore, #tpu.memory_space<semaphore_mem>>)
      %dma_wait3A = arith.constant 0 : i32
      %dma_wait3A_160 = arith.constant 0 : i32
      %dma_wait3A_161 = arith.constant 0 : i32
      %dma_wait3A_162 = tpu.memref_slice %arg5[%dma_wait3A_160, %dma_wait3A_161] : memref<224x64xf32, #tpu.memory_space<vmem>> -> memref<112x64xf32, #tpu.memory_space<vmem>>
      %dma_wait3A_163 = arith.constant 0 : i32
      %dma_wait3A_164 = tpu.memref_slice %arg4[%dma_wait3A, %dma_wait3A_163] : memref<2x112xi32, #tpu.memory_space<vmem>> -> memref<1x112xi32, #tpu.memory_space<vmem>>
      %dma_wait3A_165 = tpu.memref_squeeze %dma_wait3A_164 : memref<1x112xi32, #tpu.memory_space<vmem>> -> memref<112xi32, #tpu.memory_space<vmem>>
      %dma_wait3A_166 = arith.constant 0 : i32
      %dma_wait3A_167 = arith.constant 0 : i32
      %dma_wait3A_168 = tpu.memref_slice %arg2[%dma_wait3A_166, %dma_wait3A_167] : memref<514x64xf32, #tpu.memory_space<hbm>> -> memref<514x64xf32, #tpu.memory_space<hbm>>
      tpu.wait_indirect_dma semaphore(%arg6 : memref<!tpu.dma_semaphore, #tpu.memory_space<semaphore_mem>>) src(%dma_wait3A_168 : memref<514x64xf32, #tpu.memory_space<hbm>>) dst(%dma_wait3A_162 : memref<112x64xf32, #tpu.memory_space<vmem>>)
      %dma_wait3A_169 = arith.constant 1 : i32
      %dma_wait3A_170 = arith.constant 112 : i32
      %dma_wait3A_171 = arith.constant 0 : i32
      %dma_wait3A_172 = tpu.memref_slice %arg5[%dma_wait3A_170, %dma_wait3A_171] : memref<224x64xf32, #tpu.memory_space<vmem>> -> memref<112x64xf32, #tpu.memory_space<vmem>>
      %dma_wait3A_173 = arith.constant 0 : i32
      %dma_wait3A_174 = tpu.memref_slice %arg4[%dma_wait3A_169, %dma_wait3A_173] : memref<2x112xi32, #tpu.memory_space<vmem>> -> memref<1x112xi32, #tpu.memory_space<vmem>>
      %dma_wait3A_175 = tpu.memref_squeeze %dma_wait3A_174 : memref<1x112xi32, #tpu.memory_space<vmem>> -> memref<112xi32, #tpu.memory_space<vmem>>
      %dma_wait3A_176 = arith.constant 0 : i32
      %dma_wait3A_177 = arith.constant 0 : i32
      %dma_wait3A_178 = tpu.memref_slice %arg2[%dma_wait3A_176, %dma_wait3A_177] : memref<514x64xf32, #tpu.memory_space<hbm>> -> memref<514x64xf32, #tpu.memory_space<hbm>>
      tpu.wait_indirect_dma semaphore(%arg6 : memref<!tpu.dma_semaphore, #tpu.memory_space<semaphore_mem>>) src(%dma_wait3A_178 : memref<514x64xf32, #tpu.memory_space<hbm>>) dst(%dma_wait3A_172 : memref<112x64xf32, #tpu.memory_space<vmem>>)
      "tpu.region"() ({
        %run_scoped3A = tpu.sem_alloc : memref<!tpu.dma_semaphore, #tpu.memory_space<semaphore_mem>>
        %dma_start3A_179 = arith.constant 0 : i32
        %dma_start3A_180 = arith.constant 0 : i32
        %dma_start3A_181 = tpu.memref_slice %arg5[%dma_start3A_179, %dma_start3A_180] : memref<224x64xf32, #tpu.memory_space<vmem>> -> memref<200x64xf32, #tpu.memory_space<vmem>>
        %dma_start3A_182 = arith.constant 0 : i32
        %dma_start3A_183 = arith.constant 0 : i32
        %dma_start3A_184 = tpu.memref_slice %arg5[%dma_start3A_182, %dma_start3A_183] : memref<224x64xf32, #tpu.memory_space<vmem>> -> memref<200x64xf32, #tpu.memory_space<vmem>>
        tpu.enqueue_dma source(%dma_start3A_184 : memref<200x64xf32, #tpu.memory_space<vmem>>) target(%arg3 : memref<200x64xf32, #tpu.memory_space<hbm>>) target_semaphore(%run_scoped3A : memref<!tpu.dma_semaphore, #tpu.memory_space<semaphore_mem>>)
        %dma_wait3A_185 = arith.constant 0 : i32
        %dma_wait3A_186 = arith.constant 0 : i32
        %dma_wait3A_187 = tpu.memref_slice %arg5[%dma_wait3A_185, %dma_wait3A_186] : memref<224x64xf32, #tpu.memory_space<vmem>> -> memref<200x64xf32, #tpu.memory_space<vmem>>
        %dma_wait3A_188 = arith.constant 0 : i32
        %dma_wait3A_189 = arith.constant 0 : i32
        %dma_wait3A_190 = tpu.memref_slice %arg5[%dma_wait3A_188, %dma_wait3A_189] : memref<224x64xf32, #tpu.memory_space<vmem>> -> memref<200x64xf32, #tpu.memory_space<vmem>>
        tpu.wait_dma2 semaphore(%run_scoped3A : memref<!tpu.dma_semaphore, #tpu.memory_space<semaphore_mem>>) src(%dma_wait3A_190 : memref<200x64xf32, #tpu.memory_space<vmem>>) dst(%arg3 : memref<200x64xf32, #tpu.memory_space<hbm>>)
        tpu.yield
      }) : () -> ()
    } else {
    }
    return
  }
}

module attributes {stable_mosaic.version = 14 : i64} {
  func.func @_tc_splat_body(%arg0: i32, %arg1: memref<8x64xf32, #tpu.memory_space<vmem>>, %arg2: memref<8x64x4096xf32, #tpu.memory_space<vmem>>) attributes {dimension_semantics = [#tpu.dimension_semantics<arbitrary>], iteration_bounds = array<i64: 25>, scalar_prefetch = 0 : i64, scratch_operands = 0 : i64, tpu.core_type = #tpu.core_type<tc>, window_params = [{transform_indices = @transform_0, window_bounds = array<i64: 8, 64>}, {transform_indices = @transform_1, window_bounds = array<i64: 8, 64, 4096>}]} {
    %get3A = arith.constant 0 : index
    %get3A_0 = arith.constant 0 : index
    %get3A_1 = vector.load %arg1[%get3A, %get3A_0] : memref<8x64xf32, #tpu.memory_space<vmem>>, vector<8x64xf32>
    %broadcast_in_dim3A = vector.shape_cast %get3A_1 : vector<8x64xf32> to vector<8x64x1xf32>
    %broadcast_in_dim3A_2 = vector.shape_cast %broadcast_in_dim3A : vector<8x64x1xf32> to vector<8x64x1xf32>
    %broadcast_in_dim3A_3 = vector.broadcast %broadcast_in_dim3A_2 : vector<8x64x1xf32> to vector<8x64x4096xf32>
    %swap3A = arith.constant 0 : index
    %swap3A_4 = arith.constant 0 : index
    %swap3A_5 = arith.constant 0 : index
    %swap3A_6 = vector.load %arg2[%swap3A, %swap3A_4, %swap3A_5] : memref<8x64x4096xf32, #tpu.memory_space<vmem>>, vector<8x64x4096xf32>
    tpu.vector_store %arg2[%swap3A, %swap3A_4, %swap3A_5], %broadcast_in_dim3A_3 {strides = array<i32>} : memref<8x64x4096xf32, #tpu.memory_space<vmem>>, vector<8x64x4096xf32>,
    return
  }
  func.func @transform_0(%arg0: i32) -> (i32, i32) {
    %c0_i32 = arith.constant 0 : i32
    %c0_i32_0 = arith.constant 0 : i32
    return %arg0, %c0_i32 : i32, i32
  }
  func.func @transform_1(%arg0: i32) -> (i32, i32, i32) {
    %c0_i32 = arith.constant 0 : i32
    %c0_i32_0 = arith.constant 0 : i32
    %c0_i32_1 = arith.constant 0 : i32
    return %arg0, %c0_i32, %c0_i32_0 : i32, i32, i32
  }
}

</mosaic_0001>

<sc_bundles>
// kernel: kernel.4.cloned.1.call-start
scs
__scs_entry_jumppad:
0x0: {  	(pc) =	sbr.rel $0x88, $3  }
0x1: {  	(tag) =	ssettag $0x0;
	lr =	simm.s32 $0x1  }
0x2: {  	[smem:$0x3FA0] =	sst lr;
	_ =	strace $0xD0000000  }
0x3: {  	_ = 	snop  }
0x4: {  	_ = 	snop  }
0x5: {  	_ = 	snop  }
0x6: {  	_ = 	snop  }
0x7: {  	_ = 	snop  }
__scs_overlays_trampoline_lowered:
0x8: {  	[smem:$0x3FAF] =	sst s0  }
0x9: {  	[smem:$0x3FB0] =	sst s1  }
0xa: {  	[smem:$0x3FB1] =	sst s2  }
0xb: {  	[smem:$0x3FB2] =	sst s3  }
0xc: {  	[smem:$0x3FB3] =	sst s4  }
0xd: {  	[smem:$0x3FB4] =	sst s5  }
0xe: {  	[smem:$0x3FB5] =	sst s6  }
0xf: {  	[smem:$0x3FB6] =	sst s7  }
0x10: {  	[smem:$0x3FB7] =	sst s8  }
0x11: {  	[smem:$0x3FB8] =	sst s9;
	s0 =	simm.s32 @!p0 $0x0  }
0x12: {  	s1 =	sld [smem:$0x3F9E];
	s0 =	simm.s32 @p0 $0x1  }
0x13: {  	[smem:$0x3FB9] =	sst s0;
	s0 =	simm.s32 @!p1 $0x0  }
0x14: {  	s2 =	sld [smem:$0x3F9D];
	s0 =	simm.s32 @p1 $0x1  }
0x15: {  	[smem:$0x3FBA] =	sst s0;
	s0 =	simm.s32 @!p2 $0x0  }
0x16: {  	s3 =	sld [smem:$0x3FDB];
	s0 =	simm.s32 @p2 $0x1  }
0x17: {  	s4 =	simm.s32 $0x1BF5;
	[smem:$0x3FBC] =	sst s0  }
0x18: {  	s0 =	sld [smem:$0x3F9F];
	_ =	swait.ge [sflag:s4], $0x0  }
0x19: {  	s7 =	sld [smem:$0x3FA0]  }
0x1a: {  	s8 =	sadd.s32 $0xFFFFE003, lr  }
0x1b: {  	s9 =	sadd.s32 $0xFFFFFEF7, lr;
	s5 =	simm.s32 $0xFFFFFFFF;
	p2 =	slt.u32 s8, $0xFFFFF086  }
0x1c: {  	p1 =	slt.u32 s9, $0xF7A;
	s5 =	simm.s32 @!p2 $0x0  }
0x1d: {  	s5 =	simm.s32 @p1 $0x1;
	p0 =	seq.s32 s7, s2  }
0x1e: {  	s7 =	smul.u32 @!p0 $0xF7A, s2;
	p2 =	seq.s32 @!p0 s5, $0x0  }
0x1f: {  	s9 =	smul.u32 $0xF7A, s1;
	s8 =	simm.s32 @!p0 $0x1BF5;
	p2 =	por !p2, p0  }
0x20: {  	[sflag:s8] =	ssyncset.s32 @!p0 $0xFFFFF086;
	s6 =	sadd.s32 @!p0 s3, s7;
	s7 =	simm.s32 @!p0 $0x108  }
0x21: {  	s3 =	sadd.s32 s3, s9;
	s6 =	sadd.s32 @!p0 $0x88, s6;
	s7 =	simm.s32 @p2 $0x1082  }
0x22: {  	[simem:s7], [sflag:s8] =	dma.local @!p0 [hbm:s6], $0xF7A  }
0x23: {  	s9 =	sor.u32 $0xD0000000, s2;
	s6 =	simm.s32 $0x108;
	_ =	swait.ge @!p0 [sflag:s8], $0x0  }
0x24: {  	s3 =	sadd.s32 $0x88, s3;
	s6 =	simm.s32 @!p1 $0x1082;
	[sflag:s4] =	ssyncset.s32 $0xFFFFF086  }
0x25: {  	[simem:s6], [sflag:s4] =	dma.local [hbm:s3], $0xF7A  }
0x26: {  	[smem:$0x3FA0] =	sst s1;
	(tag) =	ssettag s2;
	_ =	strace s9  }
0x27: {  	s1 =	sld [smem:$0x3FB0]  }
0x28: {  	s2 =	sld [smem:$0x3FB1]  }
0x29: {  	s4 =	sld [smem:$0x3FB3]  }
0x2a: {  	p0 =	seq.s32 s5, $0x0;
	s5 =	sld [smem:$0x3FB4]  }
0x2b: {  	s6 =	sld [smem:$0x3FB5]  }
0x2c: {  	s7 =	sld [smem:$0x3FB6]  }
0x2d: {  	s3 =	simm.s32 $0x108;
	s8 =	sld [smem:$0x3FB7]  }
0x2e: {  	s3 =	simm.s32 @!p0 $0x1082;
	s9 =	sld [smem:$0x3FB8]  }
0x2f: {  	lr =	sadd.s32 s0, s3;
	s0 =	sld [smem:$0x3FAF]  }
0x30: {  	s3 =	sld [smem:$0x3FB2]  }
0x31: {  	[smem:$0x3FBB] =	sst s10  }
0x32: {  	s10 =	sld [smem:$0x3FB9];
	_ =	sdelay $0x3  }
0x33: {  	p0 =	seq.s32 s10, $0x1;
	s10 =	sld [smem:$0x3FBB];
	_ =	sdelay $0x3  }
0x34: {  	[smem:$0x3FBB] =	sst s10  }
0x35: {  	s10 =	sld [smem:$0x3FBA];
	_ =	sdelay $0x3  }
0x36: {  	p1 =	seq.s32 s10, $0x1;
	s10 =	sld [smem:$0x3FBB];
	_ =	sdelay $0x3  }
0x37: {  	[smem:$0x3FBB] =	sst s10  }
0x38: {  	s10 =	sld [smem:$0x3FBC]  }
0x39: {  	_ = 	snop;
	(pc) =	sbr.ind lr, $3  }
0x3a: {  	_ = 	snop  }
0x3b: {  	_ = 	snop  }
0x3c: {  	p2 =	seq.s32 s10, $0x1;
	s10 =	sld [smem:$0x3FBB]  }
0x3d: {  	_ =	shalt  }
0x3e: {  	_ =	shalt  }
0x3f: {  	_ =	shalt  }
0x40: {  	_ =	shalt  }
0x41: {  	_ =	shalt  }
0x42: {  	_ =	shalt  }
0x43: {  	_ =	shalt  }
0x44: {  	_ =	shalt  }
0x45: {  	_ =	shalt  }
0x46: {  	_ =	shalt  }
0x47: {  	_ =	shalt  }
0x48: {  	_ =	shalt  }
0x49: {  	_ =	shalt  }
0x4a: {  	_ =	shalt  }
0x4b: {  	_ =	shalt  }
0x4c: {  	_ =	shalt  }
0x4d: {  	_ =	shalt  }
0x4e: {  	_ =	shalt  }
0x4f: {  	_ =	shalt  }
0x50: {  	_ =	shalt  }
0x51: {  	_ =	shalt  }
0x52: {  	_ =	shalt  }
0x53: {  	_ =	shalt  }
0x54: {  	_ =	shalt  }
0x55: {  	_ =	shalt  }
0x56: {  	_ =	shalt  }
0x57: {  	_ =	shalt  }
0x58: {  	_ =	shalt  }
0x59: {  	_ =	shalt  }
0x5a: {  	_ =	shalt  }
0x5b: {  	_ =	shalt  }
0x5c: {  	_ =	shalt  }
0x5d: {  	_ =	shalt  }
0x5e: {  	_ =	shalt  }
0x5f: {  	_ =	shalt  }
0x60: {  	_ =	shalt  }
0x61: {  	_ =	shalt  }
0x62: {  	_ =	shalt  }
0x63: {  	_ =	shalt  }
0x64: {  	_ =	shalt  }
0x65: {  	_ =	shalt  }
0x66: {  	_ =	shalt  }
0x67: {  	_ =	shalt  }
0x68: {  	_ =	shalt  }
0x69: {  	_ =	shalt  }
0x6a: {  	_ =	shalt  }
0x6b: {  	_ =	shalt  }
0x6c: {  	_ =	shalt  }
0x6d: {  	_ =	shalt  }
0x6e: {  	_ =	shalt  }
0x6f: {  	_ =	shalt  }
0x70: {  	_ =	shalt  }
0x71: {  	_ =	shalt  }
0x72: {  	_ =	shalt  }
0x73: {  	_ =	shalt  }
0x74: {  	_ =	shalt  }
0x75: {  	_ =	shalt  }
0x76: {  	_ =	shalt  }
0x77: {  	_ =	shalt  }
0x78: {  	_ =	shalt  }
0x79: {  	_ =	shalt  }
0x7a: {  	_ =	shalt  }
0x7b: {  	_ =	shalt  }
0x7c: {  	_ =	shalt  }
0x7d: {  	_ =	shalt  }
0x7e: {  	_ =	shalt  }
0x7f: {  	_ =	shalt  }
0x80: {  	_ =	shalt  }
0x81: {  	_ =	shalt  }
0x82: {  	_ =	shalt  }
0x83: {  	_ =	shalt  }
0x84: {  	_ =	shalt  }
0x85: {  	_ =	shalt  }
0x86: {  	_ =	shalt  }
0x87: {  	_ =	shalt  }
.Lfunc_end0:
.L_simem_size_0:
called_computation_lowered:
.L_overlay_start_0:
0x88: {  	s0 =	sld [smem:$0x3FD9]  }
0x89: {  	s1 =	sld [smem:$0x3FFE];
	_ =	sdelay $0x3  }
0x8a: {  	s0 =	sadd.s32 s1, s0  }
0x8b: {  	[smem:$0x3FC7] =	sst s0  }
0x8c: {  	_ = 	snop  }
0x8d: {  	s0 =	sld [smem:$0x3FD0];
	(tm) =	ssettm $0x1  }
0x8e: {  	s16 =	sld [smem:$0x3FFB];
	_ =	sdelay $0x3  }
0x8f: {  	_ =	strace s16  }
0x90: {  	s1 =	sld [smem:$0x3FFC];
	_ =	sdelay $0x3  }
0x91: {  	_ =	strace s1  }
0x92: {  	s1 =	sld [smem:$0x3FFD];
	_ =	sdelay $0x3  }
0x93: {  	_ =	strace s1  }
0x94: {  	_ =	strace $0x8FFFFFFF  }
0x95: {  	s17 =	sld [smem:$0x3FDB];
	_ =	sdelay $0x1  }
0x96: {  	s2 =	simm.s32 $_scs_section_size  }
0x97: {  	s3 =	simm.s32 $_size__tile_overlayer_lowered;
	s4 =	simm.s32 $_tile_overlayer_lowered  }
0x98: {  	s20 =	simm.s32 $0x1BFF;
	s19 =	sshll.u32 s4, $0x1;
	s1 =	sadd.s32 s2, s17  }
0x99: {  	s5 =	simm.s32 $0x0;
	s18 =	sshll.u32 s3, $0x1;
	s3 =	sadd.s32 s19, s1  }
0x9a: {  	[timem:s5], [sflag:s20] =	dma.local [hbm:s3], s18  }
0x9b: {  	_ =	swait.ge [sflag:s20], s18  }
0x9c: {  	s2 =	ssub.s32 $0x0, s18;
	[sflag:s20] =	ssyncset.done $0x0  }
0x9d: {  	[sflag:s20] =	ssyncadd.s32 s2;
	_ =	sdelay $0x1  }
0x9e: {  	s21 =	simm.s32 $0x1B8B  }
0x9f: {  	_ =	swait.ge [sflag:s21], $0x1  }
0xa0: {  	[sflag:s21] =	ssyncset.done $0x0  }
0xa1: {  	s23 =	simm.s32 $0x1B8E;
	s22 =	sld [smem:$0x3FFE];
	[sflag:s21] =	ssyncadd.s32 $0xFFFFFFFF  }
0xa2: {  	s24 =	simm.s32 $execute0_lowered;
	[smem:$0x3FD2] =	sst s23  }
0xa3: {  	s3 =	sshll.u32 s24, $0x1;
	_ =	strace $0x80000046;
	[dreg:$0x1] =	wrdreg $0xFFFFFFFF  }
0xa4: {  	s25 =	simm.s32 $_size_execute0_lowered;
	s1 =	sadd.s32 s1, s3;
	[dreg:$0x0] =	wrdreg $0x0  }
0xa5: {  	s3 =	sshll.u32 s25, $0x1;
	[dreg:$0x2] =	wrdreg s1  }
0xa6: {  	[dreg:$0x3] =	wrdreg s3  }
0xa7: {  	[dreg:$0x4] =	wrdreg $0xC0  }
0xa8: {  	_ =	task [dreg:s5], $0x5FFFF  }
0xa9: {  	[dreg:$0x1] =	wrdreg $0xFFFFFFFF  }
0xaa: {  	[dreg:$0x0] =	wrdreg $0x60  }
0xab: {  	[dreg:$0x2] =	wrdreg s0  }
0xac: {  	[dreg:$0x3] =	wrdreg s22  }
0xad: {  	[dreg:$0x4] =	wrdreg $0x9  }
0xae: {  	_ =	task.clear_ibuf [dreg:s5], $0x5FFFF;
	_ =	strace $0x90000046  }
0xaf: {  	s26 =	simm.s32 $0x9;
	_ =	strace $0x80000048  }
0xb0: {  	_ =	swait.ge [sflag:s26], $0x1  }
0xb1: {  	[sflag:s26] =	ssyncadd.s32 $0xFFFFFFFF  }
0xb2: {  	_ =	strace $0x90000048  }
0xb3: {  	_ =	sfence  }
0xb4: {  	s28 =	sld [smem:$0x0];
	_ =	sdelay $0x1  }
0xb5: {  	s29 =	srdreg.scid  }
0xb6: {  	s30 =	sshll.u32 s29, $0xD;
	s31 =	sshrl.u32 s29, $0x2  }
0xb7: {  	s2 =	sand.u32 $0x4000, s30;
	s1 =	sand.u32 $0x1, s29;
	s0 =	sadd.s32 s31, s28  }
0xb8: {  	s1 =	sor.u32 s2, s1;
	s0 =	sshll.u32 s0, $0x11  }
0xb9: {  	s0 =	sor.u32 s0, s1  }
0xba: {  	s0 =	sadd.s32 $0x8F2B, s0  }
0xbb: {  	[sflag:s0] =	ssyncadd.remote.s32 $0x1  }
0xbc: {  	_ =	sfence.sel $0xFFFF  }
0xbd: {  	[dreg:$0x0] =	wrdreg $0xFFFFFFFF;
	(pc) =	sbr.abs _section_cstart, $3  }
0xbe: {  	[dreg:$0x1] =	wrdreg $0xFFFFFFFF  }
0xbf: {  	_ =	task.clear_ibuf [dreg:s5], $0x2FFFF;
	_ =	strace $0x9FFFFFFF  }
0xc0: {  	(tm) =	ssettm $0x7FFFFFFF  }
0xc1: {  	_ =	shalt  }
tec
execute0_lowered:
.L_overlay_start_1:
0x0: {  	(tag) =	ssettag $0x1  }
0x1: {  	s2 =	stileid.u32  }
0x2: {  	s0 =	rddreg [dreg:$0x0];
	p0 =	sne.s32 s2, $0x0  }
0x3: {  	s1 =	rddreg [dreg:$0x1];
	v0 =	vlaneseq.u32 @!p0  }
0x4: {  	s3 =	rddreg [dreg:$0x2];
	_ =	strace $0x80000047;
	[tilespmem:$0x0] =	vst @!p0 v0;
	v1 =	vor.u32 @!p0 $0x10, v0  }
0x5: {  	[tilespmem:$0x10] =	vst @!p0 v1;
	v1 =	vor.u32 @!p0 $0x20, v0  }
0x6: {  	[tilespmem:$0x20] =	vst @!p0 v1;
	v1 =	vor.u32 @!p0 $0x30, v0  }
0x7: {  	[tilespmem:$0x30] =	vst @!p0 v1;
	v1 =	vor.u32 @!p0 $0x40, v0  }
0x8: {  	[tilespmem:$0x40] =	vst @!p0 v1;
	v1 =	vor.u32 @!p0 $0x50, v0  }
0x9: {  	[tilespmem:$0x50] =	vst @!p0 v1;
	v1 =	vor.u32 @!p0 $0x60, v0  }
0xa: {  	[tilespmem:$0x60] =	vst @!p0 v1;
	v1 =	vor.u32 @!p0 $0x70, v0  }
0xb: {  	[tilespmem:$0x70] =	vst @!p0 v1;
	v1 =	vor.u32 @!p0 $0x80, v0  }
0xc: {  	[tilespmem:$0x80] =	vst @!p0 v1;
	v1 =	vor.u32 @!p0 $0x90, v0  }
0xd: {  	[tilespmem:$0x90] =	vst @!p0 v1;
	v1 =	vor.u32 @!p0 $0xA0, v0  }
0xe: {  	[tilespmem:$0xA0] =	vst @!p0 v1;
	v1 =	vor.u32 @!p0 $0xB0, v0  }
0xf: {  	[tilespmem:$0xB0] =	vst @!p0 v1;
	v1 =	vor.u32 @!p0 $0xC0, v0  }
0x10: {  	v0 =	vor.u32 @!p0 $0xD0, v0;
	[tilespmem:$0xC0] =	vst @!p0 v1  }
0x11: {  	s2 =	simm.s32 @!p0 $0x70;
	s4 =	simm.s32 @!p0 $0x0;
	s5 =	simm.s32 @!p0 $0xE0;
	[tilespmem:$0xD0] =	vst @!p0 v0  }
0x12: {  	[tilespmem:s5], [sflag:$0x1] =	stream.indirect.gather @!p0 [hbm4b:s0+s2], $0x40, s4, s2, $0xb8;
	[tilespmem:$0x38E0] =	vst v63  }
0x13: {  	s6 =	simm.s32 @!p0 $0x1CE0  }
0x14: {  	[tilespmem:s6], [sflag:$0x1] =	stream.indirect.gather @!p0 [hbm4b:s0+s2], $0x40, s2, s2, $0xb8;
	[tilespmem:$0x38E0] =	vst v63  }
0x15: {  	s0 =	simm.s32 @!p0 $0x1  }
0x16: {  	_ =	swait.ge @!p0 [sflag:s0], $0x1C00  }
0x17: {  	[sflag:s0] =	ssyncset.done @!p0 $0x0  }
0x18: {  	[sflag:s0] =	ssyncadd.s32 @!p0 $0xFFFFE400  }
0x19: {  	_ =	swait.ge @!p0 [sflag:s0], $0x1C00  }
0x1a: {  	[sflag:s0] =	ssyncset.done @!p0 $0x0  }
0x1b: {  	s1 =	sadd.s32 $0x400, s1;
	[sflag:s0] =	ssyncadd.s32 @!p0 $0xFFFFE400;
	s0 =	simm.s32 @!p0 $0x2  }
0x1c: {  	[hbm4b:s1+s4] =	stream.linear.scatter @!p0 [tilespmem:s5], [sflag:$0x2], $0x3200, $0x38;
	[tilespmem:$0x38E0] =	vst v63  }
0x1d: {  	_ =	swait.ge @!p0 [sflag:s0], $0x3200  }
0x1e: {  	[sflag:s0] =	ssyncset.done @!p0 $0x0  }
0x1f: {  	[sflag:s0] =	ssyncadd.s32 @!p0 $0xFFFFCE00  }
0x20: {  	_ =	sfence.sel $0x180000  }
0x21: {  	[bflag:$0x0] =	sbarrier.arrive $0xFFFF  }
0x22: {  	_ =	strace $0x90000047  }
0x23: {  	s0 =	sadd.s32 @!p0 $0x100000, s3;
	[bflag:$0x2] =	sbarrier.arrive $0xFFFF  }
0x24: {  	[sflag:s0] =	ssyncadd.tile.s32 @!p0 $0x1;
	_ =	shalt  }
.Lfunc_end2:
_tile_overlayer_lowered:
.L_overlay_start_2:
0x25: {  	(tag) =	ssettag $0x2  }
0x26: {  	s0 =	rddreg [dreg:$0x0];
	s2 =	stileid.u32  }
0x27: {  	s1 =	rddreg [dreg:$0x1];
	p0 =	sne.s32 s2, $0x0  }
0x28: {  	s3 =	rddreg [dreg:$0x2];
	[bflag:$0x3] =	sbarrier.arrive $0xFFFF;
	s2 =	simm.s32 @!p0 $0x1C02  }
0x29: {  	[timem:s3], [sflag:s2] =	dma.local @!p0 [hbm:s0], s1  }
0x2a: {  	s0 =	simm.s32 @!p0 $0x2  }
0x2b: {  	_ =	swait.ge @!p0 [sflag:s0], s1  }
0x2c: {  	s1 =	ssub.s32 @!p0 $0x0, s1;
	[sflag:s0] =	ssyncset.done @!p0 $0x0  }
0x2d: {  	[sflag:s0] =	ssyncadd.s32 @!p0 s1  }
0x2e: {  	[bflag:$0x3] =	sbarrier.arrive $0xFFFF  }
0x2f: {  	_ =	shalt  }

</sc_bundles>
